<compile_context>
chip_gen: v7x
topology: tpu7x:2x2x1
jax: 0.10.2.dev20260603
libtpu: 0.0.44.dev20260713+nightly
codegen_flags: <defaults>
</compile_context>

<pallas_src>
import functools

import jax
import jax.numpy as jnp
from jax import lax
from jax.experimental import pallas as pl
from jax.experimental.pallas import tpu as pltpu
from jax.experimental.pallas import tpu_sc as plsc

B = 1024
IN = 768
H = 512
BLK = 256

try:
    _SC_INFO = plsc.get_sparse_core_info()
    _NC = _SC_INFO.num_cores
    _NS = _SC_INFO.num_subcores
except Exception:
    _NC, _NS = 2, 16
_NC = 1
_NW = _NC * _NS
_BPW = B // _NW


def _vqvae_body(x_ref, w1_ref, b1_ref, w2_ref, b2_ref, cb_ref, w3_ref,
                b3_ref, w4_ref, b4_ref, xr_ref, ze_ref, idx_ref):
    x = x_ref[...]
    h = jnp.maximum(
        jnp.dot(x, w1_ref[...], preferred_element_type=jnp.float32) + b1_ref[...], 0.0)
    z_e = jnp.maximum(
        jnp.dot(h, w2_ref[...], preferred_element_type=jnp.float32) + b2_ref[...], 0.0)

    cb = cb_ref[...]
    rs = jnp.sum(cb, axis=1)[None, :]
    q = jnp.sum(cb * cb, axis=1)[None, :]
    scores = jnp.float32(H) * z_e * z_e - 2.0 * z_e * rs + q

    mn = jnp.min(scores, axis=1, keepdims=True)
    iota = lax.broadcasted_iota(jnp.int32, scores.shape, 1)
    idx = jnp.min(jnp.where(scores == mn, iota, H), axis=1, keepdims=True)
    onehot = (iota == idx).astype(jnp.float32)
    z_q = jnp.dot(onehot, cb, preferred_element_type=jnp.float32)

    d = jnp.maximum(
        jnp.dot(z_q, w3_ref[...], preferred_element_type=jnp.float32) + b3_ref[...], 0.0)
    logits = jnp.dot(d, w4_ref[...], preferred_element_type=jnp.float32) + b4_ref[...]
    xr_ref[...] = jax.nn.sigmoid(logits)
    ze_ref[...] = z_e

    ir = lax.broadcasted_iota(jnp.int32, (BLK, BLK), 0)
    ic = lax.broadcasted_iota(jnp.int32, (BLK, BLK), 1)
    eye = (ir == ic).astype(jnp.float32)
    diag = eye * idx.astype(jnp.float32)
    row = jnp.dot(jnp.ones((1, BLK), jnp.float32), diag,
                  preferred_element_type=jnp.float32,
                  precision=lax.Precision.HIGHEST)
    idx_ref[...] = row.astype(jnp.int32).reshape(BLK)


def _gather_sc_body(idx_hbm, cb_hbm, zq_hbm, idx_v, rows_v, sem):
    wid = lax.axis_index("s") * _NC + lax.axis_index("c")
    base = wid * _BPW
    pltpu.sync_copy(idx_hbm.at[pl.ds(base, _BPW)], idx_v)
    pltpu.async_copy(cb_hbm.at[idx_v], rows_v, sem).wait()
    pltpu.sync_copy(rows_v, zq_hbm.at[pl.ds(base, _BPW)])


def _tc_fused(x, W1, b1, W2, b2, codebook, W3, b3, W4, b4):
    grid = (B // BLK,)
    full = lambda shape: pl.BlockSpec(shape, lambda i: (0, 0))
    row_blk = lambda cols: pl.BlockSpec((BLK, cols), lambda i: (i, 0))
    return pl.pallas_call(
        _vqvae_body,
        grid=grid,
        in_specs=[
            row_blk(IN),
            full((IN, H)), full((1, H)),
            full((H, H)), full((1, H)),
            full((H, H)),
            full((H, H)), full((1, H)),
            full((H, IN)), full((1, IN)),
        ],
        out_specs=[row_blk(IN), row_blk(H),
                   pl.BlockSpec((BLK,), lambda i: (i,))],
        out_shape=[
            jax.ShapeDtypeStruct((B, IN), jnp.float32),
            jax.ShapeDtypeStruct((B, H), jnp.float32),
            jax.ShapeDtypeStruct((B,), jnp.int32),
        ],
        compiler_params=pltpu.CompilerParams(
            dimension_semantics=("arbitrary",)),
    )(x, W1, b1.reshape(1, H), W2, b2.reshape(1, H), codebook,
      W3, b3.reshape(1, H), W4, b4.reshape(1, IN))


@functools.cache
def _sc_gather():
    return functools.partial(
        pl.kernel,
        out_type=jax.ShapeDtypeStruct((B, H), jnp.float32),
        mesh=plsc.VectorSubcoreMesh(core_axis_name="c", subcore_axis_name="s",
                                    num_cores=_NC),
        scratch_types=[
            pltpu.VMEM((_BPW,), jnp.int32),
            pltpu.VMEM((_BPW, H), jnp.float32),
            pltpu.SemaphoreType.DMA,
        ],
    )(_gather_sc_body)


@jax.jit
def kernel(x, W1, b1, W2, b2, codebook, W3, b3, W4, b4):
    x_recon, z_e, idx = _tc_fused(x, W1, b1, W2, b2, codebook, W3, b3, W4, b4)
    z_q = _sc_gather()(idx, codebook)
    return (x_recon, z_e, z_q)

# --- scband reference (transcript-rebuilt; emitter-appended) ---
"""Pipeline reference for scband-vqvae-42056319762856 (READ-ONLY COPY).

The authoritative reference and input builder live on the scoring server;
editing this copy changes nothing except your own understanding.
"""

import jax, jax.numpy as jnp
import numpy as np

B = 1024
INPUT_DIM = 768
HIDDEN_DIM = 512
NUM_EMBEDDINGS = 512  # must equal HIDDEN_DIM due to broadcast in vector_quantization


def setup_inputs(seed: int = 0) -> dict:
    key = jax.random.key(seed)
    ks = jax.random.split(key, 12)
    x = jax.random.uniform(ks[0], (B, INPUT_DIM), dtype=jnp.float32)
    # encoder: Linear(input_dim, hidden) -> ReLU -> Linear(hidden, hidden) -> ReLU
    W1 = jax.random.normal(ks[1], (INPUT_DIM, HIDDEN_DIM), dtype=jnp.float32) * 0.02
    b1 = jnp.zeros((HIDDEN_DIM,), dtype=jnp.float32)
    W2 = jax.random.normal(ks[2], (HIDDEN_DIM, HIDDEN_DIM), dtype=jnp.float32) * 0.02
    b2 = jnp.zeros((HIDDEN_DIM,), dtype=jnp.float32)
    # codebook embedding [num_embeddings, hidden_dim]
    codebook = jax.random.normal(ks[3], (NUM_EMBEDDINGS, HIDDEN_DIM), dtype=jnp.float32) * 0.02
    # decoder: Linear(hidden, hidden) -> ReLU -> Linear(hidden, input_dim) -> Sigmoid
    W3 = jax.random.normal(ks[4], (HIDDEN_DIM, HIDDEN_DIM), dtype=jnp.float32) * 0.02
    b3 = jnp.zeros((HIDDEN_DIM,), dtype=jnp.float32)
    W4 = jax.random.normal(ks[5], (HIDDEN_DIM, INPUT_DIM), dtype=jnp.float32) * 0.02
    b4 = jnp.zeros((INPUT_DIM,), dtype=jnp.float32)
    return {"x": x, "W1": W1, "b1": b1, "W2": W2, "b2": b2,
            "codebook": codebook, "W3": W3, "b3": b3, "W4": W4, "b4": b4}


def _vector_quantization(z, codebook):
    # z: [B, H]; torch: z_e = z.unsqueeze(-1) -> [B, H, 1]
    z_e = z[:, :, None]
    # broadcast [B, H, 1] with [K, H] requires K == H; result [B, H, H]
    distances = jnp.sum((z_e - codebook) ** 2, axis=2)  # [B, K]
    b_idx = jnp.argmin(distances, axis=1)  # [B]
    z_q = jax.lax.stop_gradient(jnp.take(codebook, b_idx, axis=0))  # [B, H]
    return z_q, b_idx


def reference(x, W1, b1, W2, b2, codebook, W3, b3, W4, b4):
    # encoder
    h = jax.nn.relu(x @ W1 + b1)
    z_e = jax.nn.relu(h @ W2 + b2)
    # vector quantization on detached z_e
    z_q, _ = _vector_quantization(jax.lax.stop_gradient(z_e), codebook)
    # decoder
    d = jax.nn.relu(z_q @ W3 + b3)
    x_recon = jax.nn.sigmoid(d @ W4 + b4)
    return (x_recon, z_e, z_q)

if __name__ == "__main__":
    import jax
    _d = setup_inputs()
    print(jax.jit(kernel)(*tuple(_d.values())))

</pallas_src>

<mosaic_0001>
#map = affine_map<(d0, d1) -> (0)>
#map1 = affine_map<(d0, d1) -> (0, 0)>
module attributes {stable_mosaic.version = 14 : i64} {
  func.func @_gather_sc_body(%arg0: i32, %arg1: i32, %arg2: memref<1024xi32, #tpu.memory_space<hbm>>, %arg3: memref<512x512xf32, #tpu.memory_space<hbm>>, %arg4: memref<1024x512xf32, #tpu.memory_space<hbm>>, %arg5: memref<64xi32, #tpu.memory_space<vmem>>, %arg6: memref<64x512xf32, #tpu.memory_space<vmem>>, %arg7: memref<!tpu.dma_semaphore, #tpu.memory_space<semaphore_mem>>) attributes {dimension_semantics = [#tpu.dimension_semantics<core_parallel>, #tpu.dimension_semantics<subcore_parallel>], iteration_bounds = array<i64: 1, 16>, scalar_prefetch = 0 : i64, scratch_operands = 3 : i64, tpu.core_type = #tpu.core_type<sc_vector_subcore>, window_params = [{transform_indices = #map}, {transform_indices = #map1}, {transform_indices = #map1}]} {
    %mul3A = arith.constant 1 : i32
    %mul3A_0 = arith.muli %arg1, %mul3A : i32
    %add3A = arith.addi %mul3A_0, %arg0 : i32
    %mul3A_1 = arith.constant 64 : i32
    %mul3A_2 = arith.muli %add3A, %mul3A_1 : i32
    "tpu.region"() ({
      %run_scoped3A = tpu.sem_alloc : memref<!tpu.dma_semaphore, #tpu.memory_space<semaphore_mem>>
      %dma_start3A_7 = tpu.memref_slice %arg2[%mul3A_2] : memref<1024xi32, #tpu.memory_space<hbm>> -> memref<64xi32, #tpu.memory_space<hbm>>
      %dma_start3A_8 = tpu.memref_slice %arg2[%mul3A_2] : memref<1024xi32, #tpu.memory_space<hbm>> -> memref<64xi32, #tpu.memory_space<hbm>>
      tpu.enqueue_dma source(%dma_start3A_8 : memref<64xi32, #tpu.memory_space<hbm>>) target(%arg5 : memref<64xi32, #tpu.memory_space<vmem>>) target_semaphore(%run_scoped3A : memref<!tpu.dma_semaphore, #tpu.memory_space<semaphore_mem>>)
      %dma_wait3A_9 = tpu.memref_slice %arg2[%mul3A_2] : memref<1024xi32, #tpu.memory_space<hbm>> -> memref<64xi32, #tpu.memory_space<hbm>>
      %dma_wait3A_10 = tpu.memref_slice %arg2[%mul3A_2] : memref<1024xi32, #tpu.memory_space<hbm>> -> memref<64xi32, #tpu.memory_space<hbm>>
      tpu.wait_dma2 semaphore(%run_scoped3A : memref<!tpu.dma_semaphore, #tpu.memory_space<semaphore_mem>>) src(%dma_wait3A_10 : memref<64xi32, #tpu.memory_space<hbm>>) dst(%arg5 : memref<64xi32, #tpu.memory_space<vmem>>)
      tpu.yield
    }) : () -> ()
    %dma_start3A = arith.constant 0 : i32
    %dma_start3A_3 = arith.constant 0 : i32
    %dma_start3A_4 = tpu.memref_slice %arg3[%dma_start3A, %dma_start3A_3] : memref<512x512xf32, #tpu.memory_space<hbm>> -> memref<512x512xf32, #tpu.memory_space<hbm>>
    tpu.enqueue_indirect_dma source(%dma_start3A_4 : memref<512x512xf32, #tpu.memory_space<hbm>>) target(%arg6 : memref<64x512xf32, #tpu.memory_space<vmem>>) offsets(%arg5 : memref<64xi32, #tpu.memory_space<vmem>>) semaphore(%arg7 : memref<!tpu.dma_semaphore, #tpu.memory_space<semaphore_mem>>)
    %dma_wait3A = arith.constant 0 : i32
    %dma_wait3A_5 = arith.constant 0 : i32
    %dma_wait3A_6 = tpu.memref_slice %arg3[%dma_wait3A, %dma_wait3A_5] : memref<512x512xf32, #tpu.memory_space<hbm>> -> memref<512x512xf32, #tpu.memory_space<hbm>>
    tpu.wait_indirect_dma semaphore(%arg7 : memref<!tpu.dma_semaphore, #tpu.memory_space<semaphore_mem>>) src(%dma_wait3A_6 : memref<512x512xf32, #tpu.memory_space<hbm>>) dst(%arg6 : memref<64x512xf32, #tpu.memory_space<vmem>>)
    "tpu.region"() ({
      %run_scoped3A = tpu.sem_alloc : memref<!tpu.dma_semaphore, #tpu.memory_space<semaphore_mem>>
      %dma_start3A_7 = arith.constant 0 : i32
      %dma_start3A_8 = tpu.memref_slice %arg4[%mul3A_2, %dma_start3A_7] : memref<1024x512xf32, #tpu.memory_space<hbm>> -> memref<64x512xf32, #tpu.memory_space<hbm>>
      %dma_start3A_9 = arith.constant 0 : i32
      %dma_start3A_10 = tpu.memref_slice %arg4[%mul3A_2, %dma_start3A_9] : memref<1024x512xf32, #tpu.memory_space<hbm>> -> memref<64x512xf32, #tpu.memory_space<hbm>>
      tpu.enqueue_dma source(%arg6 : memref<64x512xf32, #tpu.memory_space<vmem>>) target(%dma_start3A_10 : memref<64x512xf32, #tpu.memory_space<hbm>>) target_semaphore(%run_scoped3A : memref<!tpu.dma_semaphore, #tpu.memory_space<semaphore_mem>>)
      %dma_wait3A_11 = arith.constant 0 : i32
      %dma_wait3A_12 = tpu.memref_slice %arg4[%mul3A_2, %dma_wait3A_11] : memref<1024x512xf32, #tpu.memory_space<hbm>> -> memref<64x512xf32, #tpu.memory_space<hbm>>
      %dma_wait3A_13 = arith.constant 0 : i32
      %dma_wait3A_14 = tpu.memref_slice %arg4[%mul3A_2, %dma_wait3A_13] : memref<1024x512xf32, #tpu.memory_space<hbm>> -> memref<64x512xf32, #tpu.memory_space<hbm>>
      tpu.wait_dma2 semaphore(%run_scoped3A : memref<!tpu.dma_semaphore, #tpu.memory_space<semaphore_mem>>) src(%arg6 : memref<64x512xf32, #tpu.memory_space<vmem>>) dst(%dma_wait3A_14 : memref<64x512xf32, #tpu.memory_space<hbm>>)
      tpu.yield
    }) : () -> ()
    return
  }
}

module attributes {stable_mosaic.version = 14 : i64} {
  func.func @_vqvae_body(%arg0: i32, %arg1: memref<256x768xf32, #tpu.memory_space<vmem>>, %arg2: memref<768x512xf32, #tpu.memory_space<vmem>>, %arg3: memref<1x512xf32, #tpu.memory_space<vmem>>, %arg4: memref<512x512xf32, #tpu.memory_space<vmem>>, %arg5: memref<1x512xf32, #tpu.memory_space<vmem>>, %arg6: memref<512x512xf32, #tpu.memory_space<vmem>>, %arg7: memref<512x512xf32, #tpu.memory_space<vmem>>, %arg8: memref<1x512xf32, #tpu.memory_space<vmem>>, %arg9: memref<512x768xf32, #tpu.memory_space<vmem>>, %arg10: memref<1x768xf32, #tpu.memory_space<vmem>>, %arg11: memref<256x768xf32, #tpu.memory_space<vmem>>, %arg12: memref<256x512xf32, #tpu.memory_space<vmem>>, %arg13: memref<256xi32, #tpu.memory_space<vmem>>) attributes {dimension_semantics = [#tpu.dimension_semantics<arbitrary>], iteration_bounds = array<i64: 4>, scalar_prefetch = 0 : i64, scratch_operands = 0 : i64, tpu.core_type = #tpu.core_type<tc>, window_params = [{transform_indices = @transform_0, window_bounds = array<i64: 256, 768>}, {pipeline_mode = #tpu.pipeline_mode<synchronous>, transform_indices = @transform_1, window_bounds = array<i64: 768, 512>}, {pipeline_mode = #tpu.pipeline_mode<synchronous>, transform_indices = @transform_2, window_bounds = array<i64: 1, 512>}, {pipeline_mode = #tpu.pipeline_mode<synchronous>, transform_indices = @transform_3, window_bounds = array<i64: 512, 512>}, {pipeline_mode = #tpu.pipeline_mode<synchronous>, transform_indices = @transform_4, window_bounds = array<i64: 1, 512>}, {pipeline_mode = #tpu.pipeline_mode<synchronous>, transform_indices = @transform_5, window_bounds = array<i64: 512, 512>}, {pipeline_mode = #tpu.pipeline_mode<synchronous>, transform_indices = @transform_6, window_bounds = array<i64: 512, 512>}, {pipeline_mode = #tpu.pipeline_mode<synchronous>, transform_indices = @transform_7, window_bounds = array<i64: 1, 512>}, {pipeline_mode = #tpu.pipeline_mode<synchronous>, transform_indices = @transform_8, window_bounds = array<i64: 512, 768>}, {pipeline_mode = #tpu.pipeline_mode<synchronous>, transform_indices = @transform_9, window_bounds = array<i64: 1, 768>}, {transform_indices = @transform_10, window_bounds = array<i64: 256, 768>}, {transform_indices = @transform_11, window_bounds = array<i64: 256, 512>}, {transform_indices = @transform_12, window_bounds = array<i64: 256>}]} {
    %get3A = arith.constant 0 : index
    %get3A_0 = arith.constant 0 : index
    %get3A_1 = vector.load %arg1[%get3A, %get3A_0] : memref<256x768xf32, #tpu.memory_space<vmem>>, vector<256x768xf32>
    %get3A_2 = arith.constant 0 : index
    %get3A_3 = arith.constant 0 : index
    %get3A_4 = vector.load %arg2[%get3A_2, %get3A_3] : memref<768x512xf32, #tpu.memory_space<vmem>>, vector<768x512xf32>
    %dot_general3A = arith.constant dense<0.000000e+00> : vector<256x512xf32>
    %dot_general3A_5 = tpu.matmul %get3A_1, %get3A_4, %dot_general3A {dimension_numbers = #tpu.dot_dimension_numbers<[1], [0], [0], [1], [0, 0, 1, 1], [], []>, transpose_lhs_hint = false} : vector<256x768xf32>, vector<768x512xf32>, vector<256x512xf32> -> vector<256x512xf32>
    %get3A_6 = arith.constant 0 : index
    %get3A_7 = arith.constant 0 : index
    %get3A_8 = vector.load %arg3[%get3A_6, %get3A_7] : memref<1x512xf32, #tpu.memory_space<vmem>>, vector<1x512xf32>
    %add3A = vector.broadcast %get3A_8 : vector<1x512xf32> to vector<256x512xf32>
    %add3A_9 = arith.addf %dot_general3A_5, %add3A : vector<256x512xf32>
    %max3A = arith.constant 0.000000e+00 : f32
    %max3A_10 = vector.broadcast %max3A : f32 to vector<256x512xf32>
    %max3A_11 = arith.maximumf %add3A_9, %max3A_10 : vector<256x512xf32>
    %get3A_12 = arith.constant 0 : index
    %get3A_13 = arith.constant 0 : index
    %get3A_14 = vector.load %arg4[%get3A_12, %get3A_13] : memref<512x512xf32, #tpu.memory_space<vmem>>, vector<512x512xf32>
    %dot_general3A_15 = arith.constant dense<0.000000e+00> : vector<256x512xf32>
    %dot_general3A_16 = tpu.matmul %max3A_11, %get3A_14, %dot_general3A_15 {dimension_numbers = #tpu.dot_dimension_numbers<[1], [0], [0], [1], [0, 0, 1, 1], [], []>, transpose_lhs_hint = false} : vector<256x512xf32>, vector<512x512xf32>, vector<256x512xf32> -> vector<256x512xf32>
    %get3A_17 = arith.constant 0 : index
    %get3A_18 = arith.constant 0 : index
    %get3A_19 = vector.load %arg5[%get3A_17, %get3A_18] : memref<1x512xf32, #tpu.memory_space<vmem>>, vector<1x512xf32>
    %add3A_20 = vector.broadcast %get3A_19 : vector<1x512xf32> to vector<256x512xf32>
    %add3A_21 = arith.addf %dot_general3A_16, %add3A_20 : vector<256x512xf32>
    %max3A_22 = arith.constant 0.000000e+00 : f32
    %max3A_23 = vector.broadcast %max3A_22 : f32 to vector<256x512xf32>
    %max3A_24 = arith.maximumf %add3A_21, %max3A_23 : vector<256x512xf32>
    %get3A_25 = arith.constant 0 : index
    %get3A_26 = arith.constant 0 : index
    %get3A_27 = vector.load %arg6[%get3A_25, %get3A_26] : memref<512x512xf32, #tpu.memory_space<vmem>>, vector<512x512xf32>
    %reduce_sum3A = arith.constant dense<0.000000e+00> : vector<512xf32>
    %reduce_sum3A_28 = vector.multi_reduction <add>, %get3A_27, %reduce_sum3A [1] : vector<512x512xf32> to vector<512xf32>
    %broadcast_in_dim3A = vector.shape_cast %reduce_sum3A_28 : vector<512xf32> to vector<1x512xf32>
    %mul3A = arith.mulf %get3A_27, %get3A_27 : vector<512x512xf32>
    %reduce_sum3A_29 = arith.constant dense<0.000000e+00> : vector<512xf32>
    %reduce_sum3A_30 = vector.multi_reduction <add>, %mul3A, %reduce_sum3A_29 [1] : vector<512x512xf32> to vector<512xf32>
    %broadcast_in_dim3A_31 = vector.shape_cast %reduce_sum3A_30 : vector<512xf32> to vector<1x512xf32>
    %mul3A_32 = arith.constant 5.120000e+02 : f32
    %mul3A_33 = vector.broadcast %mul3A_32 : f32 to vector<256x512xf32>
    %mul3A_34 = arith.mulf %mul3A_33, %max3A_24 : vector<256x512xf32>
    %mul3A_35 = arith.mulf %mul3A_34, %max3A_24 : vector<256x512xf32>
    %mul3A_36 = arith.constant 2.000000e+00 : f32
    %mul3A_37 = vector.broadcast %mul3A_36 : f32 to vector<256x512xf32>
    %mul3A_38 = arith.mulf %mul3A_37, %max3A_24 : vector<256x512xf32>
    %mul3A_39 = vector.broadcast %broadcast_in_dim3A : vector<1x512xf32> to vector<256x512xf32>
    %mul3A_40 = arith.mulf %mul3A_38, %mul3A_39 : vector<256x512xf32>
    %sub3A = arith.subf %mul3A_35, %mul3A_40 : vector<256x512xf32>
    %add3A_41 = vector.broadcast %broadcast_in_dim3A_31 : vector<1x512xf32> to vector<256x512xf32>
    %add3A_42 = arith.addf %sub3A, %add3A_41 : vector<256x512xf32>
    %reduce_min3A = arith.constant dense<0x7F800000> : vector<256xf32>
    %reduce_min3A_43 = vector.multi_reduction <minimumf>, %add3A_42, %reduce_min3A [1] : vector<256x512xf32> to vector<256xf32>
    %broadcast_in_dim3A_44 = vector.shape_cast %reduce_min3A_43 : vector<256xf32> to vector<256x1xf32>
    %iota3A = tpu.iota {dimensions = array<i32: 1>} : vector<256x512xi32>
    %eq3A = vector.broadcast %broadcast_in_dim3A_44 : vector<256x1xf32> to vector<256x512xf32>
    %eq3A_45 = arith.cmpf oeq, %add3A_42, %eq3A : vector<256x512xf32>
    %jit3A = arith.constant 512 : i32
    %broadcast_in_dim3A_46 = vector.broadcast %jit3A : i32 to vector<256x512xi32>
    %select_n3A = arith.select %eq3A_45, %iota3A, %broadcast_in_dim3A_46 : vector<256x512xi1>, vector<256x512xi32>
    %reduce_min3A_47 = arith.constant dense<2147483647> : vector<256xi32>
    %reduce_min3A_48 = vector.multi_reduction <minsi>, %select_n3A, %reduce_min3A_47 [1] : vector<256x512xi32> to vector<256xi32>
    %broadcast_in_dim3A_49 = vector.shape_cast %reduce_min3A_48 : vector<256xi32> to vector<256x1xi32>
    %eq3A_50 = vector.broadcast %broadcast_in_dim3A_49 : vector<256x1xi32> to vector<256x512xi32>
    %eq3A_51 = arith.cmpi eq, %iota3A, %eq3A_50 : vector<256x512xi32>
    %convert_element_type3A = arith.extui %eq3A_51 : vector<256x512xi1> to vector<256x512xi32>
    %convert_element_type3A_52 = arith.sitofp %convert_element_type3A : vector<256x512xi32> to vector<256x512xf32>
    %dot_general3A_53 = arith.constant dense<0.000000e+00> : vector<256x512xf32>
    %dot_general3A_54 = tpu.matmul %convert_element_type3A_52, %get3A_27, %dot_general3A_53 {dimension_numbers = #tpu.dot_dimension_numbers<[1], [0], [0], [1], [0, 0, 1, 1], [], []>, transpose_lhs_hint = false} : vector<256x512xf32>, vector<512x512xf32>, vector<256x512xf32> -> vector<256x512xf32>
    %get3A_55 = arith.constant 0 : index
    %get3A_56 = arith.constant 0 : index
    %get3A_57 = vector.load %arg7[%get3A_55, %get3A_56] : memref<512x512xf32, #tpu.memory_space<vmem>>, vector<512x512xf32>
    %dot_general3A_58 = arith.constant dense<0.000000e+00> : vector<256x512xf32>
    %dot_general3A_59 = tpu.matmul %dot_general3A_54, %get3A_57, %dot_general3A_58 {dimension_numbers = #tpu.dot_dimension_numbers<[1], [0], [0], [1], [0, 0, 1, 1], [], []>, transpose_lhs_hint = false} : vector<256x512xf32>, vector<512x512xf32>, vector<256x512xf32> -> vector<256x512xf32>
    %get3A_60 = arith.constant 0 : index
    %get3A_61 = arith.constant 0 : index
    %get3A_62 = vector.load %arg8[%get3A_60, %get3A_61] : memref<1x512xf32, #tpu.memory_space<vmem>>, vector<1x512xf32>
    %add3A_63 = vector.broadcast %get3A_62 : vector<1x512xf32> to vector<256x512xf32>
    %add3A_64 = arith.addf %dot_general3A_59, %add3A_63 : vector<256x512xf32>
    %max3A_65 = arith.constant 0.000000e+00 : f32
    %max3A_66 = vector.broadcast %max3A_65 : f32 to vector<256x512xf32>
    %max3A_67 = arith.maximumf %add3A_64, %max3A_66 : vector<256x512xf32>
    %get3A_68 = arith.constant 0 : index
    %get3A_69 = arith.constant 0 : index
    %get3A_70 = vector.load %arg9[%get3A_68, %get3A_69] : memref<512x768xf32, #tpu.memory_space<vmem>>, vector<512x768xf32>
    %dot_general3A_71 = arith.constant dense<0.000000e+00> : vector<256x768xf32>
    %dot_general3A_72 = tpu.matmul %max3A_67, %get3A_70, %dot_general3A_71 {dimension_numbers = #tpu.dot_dimension_numbers<[1], [0], [0], [1], [0, 0, 1, 1], [], []>, transpose_lhs_hint = false} : vector<256x512xf32>, vector<512x768xf32>, vector<256x768xf32> -> vector<256x768xf32>
    %get3A_73 = arith.constant 0 : index
    %get3A_74 = arith.constant 0 : index
    %get3A_75 = vector.load %arg10[%get3A_73, %get3A_74] : memref<1x768xf32, #tpu.memory_space<vmem>>, vector<1x768xf32>
    %add3A_76 = vector.broadcast %get3A_75 : vector<1x768xf32> to vector<256x768xf32>
    %add3A_77 = arith.addf %dot_general3A_72, %add3A_76 : vector<256x768xf32>
    %logistic3A = arith.negf %add3A_77 : vector<256x768xf32>
    %logistic3A_78 = math.exp %logistic3A : vector<256x768xf32>
    %logistic3A_79 = arith.constant 1.000000e+00 : f32
    %logistic3A_80 = vector.broadcast %logistic3A_79 : f32 to vector<256x768xf32>
    %logistic3A_81 = arith.addf %logistic3A_80, %logistic3A_78 : vector<256x768xf32>
    %logistic3A_82 = arith.divf %logistic3A_80, %logistic3A_81 : vector<256x768xf32>
    %swap3A = arith.constant 0 : index
    %swap3A_83 = arith.constant 0 : index
    %swap3A_84 = vector.load %arg11[%swap3A, %swap3A_83] : memref<256x768xf32, #tpu.memory_space<vmem>>, vector<256x768xf32>
    tpu.vector_store %arg11[%swap3A, %swap3A_83], %logistic3A_82 {strides = array<i32>} : memref<256x768xf32, #tpu.memory_space<vmem>>, vector<256x768xf32>,
    %swap3A_85 = arith.constant 0 : index
    %swap3A_86 = arith.constant 0 : index
    %swap3A_87 = vector.load %arg12[%swap3A_85, %swap3A_86] : memref<256x512xf32, #tpu.memory_space<vmem>>, vector<256x512xf32>
    tpu.vector_store %arg12[%swap3A_85, %swap3A_86], %max3A_24 {strides = array<i32>} : memref<256x512xf32, #tpu.memory_space<vmem>>, vector<256x512xf32>,
    %iota3A_88 = tpu.iota {dimensions = array<i32: 0>} : vector<256x256xi32>
    %iota3A_89 = tpu.iota {dimensions = array<i32: 1>} : vector<256x256xi32>
    %eq3A_90 = arith.cmpi eq, %iota3A_88, %iota3A_89 : vector<256x256xi32>
    %convert_element_type3A_91 = arith.extui %eq3A_90 : vector<256x256xi1> to vector<256x256xi32>
    %convert_element_type3A_92 = arith.sitofp %convert_element_type3A_91 : vector<256x256xi32> to vector<256x256xf32>
    %convert_element_type3A_93 = arith.sitofp %broadcast_in_dim3A_49 : vector<256x1xi32> to vector<256x1xf32>
    %mul3A_94 = vector.broadcast %convert_element_type3A_93 : vector<256x1xf32> to vector<256x256xf32>
    %mul3A_95 = arith.mulf %convert_element_type3A_92, %mul3A_94 : vector<256x256xf32>
    %broadcast_in_dim3A_96 = arith.constant 1.000000e+00 : f32
    %broadcast_in_dim3A_97 = vector.broadcast %broadcast_in_dim3A_96 : f32 to vector<1x256xf32>
    %dot_general3A_98 = arith.constant dense<0.000000e+00> : vector<1x256xf32>
    %dot_general3A_99 = tpu.matmul %broadcast_in_dim3A_97, %mul3A_95, %dot_general3A_98 {dimension_numbers = #tpu.dot_dimension_numbers<[1], [0], [0], [1], [0, 0, 1, 1], [], []>, precision = #tpu.contract_precision<fp32>, transpose_lhs_hint = false} : vector<1x256xf32>, vector<256x256xf32>, vector<1x256xf32> -> vector<1x256xf32>
    %convert_element_type3A_100 = arith.fptosi %dot_general3A_99 : vector<1x256xf32> to vector<1x256xi32>
    %reshape3A = vector.shape_cast %convert_element_type3A_100 : vector<1x256xi32> to vector<256xi32>
    %swap3A_101 = arith.constant 0 : index
    %swap3A_102 = vector.load %arg13[%swap3A_101] : memref<256xi32, #tpu.memory_space<vmem>>, vector<256xi32>
    tpu.vector_store %arg13[%swap3A_101], %reshape3A {strides = array<i32>} : memref<256xi32, #tpu.memory_space<vmem>>, vector<256xi32>,
    return
  }
  func.func @transform_0(%arg0: i32) -> (i32, i32) {
    %c0_i32 = arith.constant 0 : i32
    %c0_i32_0 = arith.constant 0 : i32
    return %arg0, %c0_i32 : i32, i32
  }
  func.func @transform_1(%arg0: i32) -> (i32, i32) {
    %c0_i32 = arith.constant 0 : i32
    %c0_i32_0 = arith.constant 0 : i32
    %c0_i32_1 = arith.constant 0 : i32
    return %c0_i32, %c0_i32_0 : i32, i32
  }
  func.func @transform_2(%arg0: i32) -> (i32, i32) {
    %c0_i32 = arith.constant 0 : i32
    %c0_i32_0 = arith.constant 0 : i32
    %c0_i32_1 = arith.constant 0 : i32
    return %c0_i32, %c0_i32_0 : i32, i32
  }
  func.func @transform_3(%arg0: i32) -> (i32, i32) {
    %c0_i32 = arith.constant 0 : i32
    %c0_i32_0 = arith.constant 0 : i32
    %c0_i32_1 = arith.constant 0 : i32
    return %c0_i32, %c0_i32_0 : i32, i32
  }
  func.func @transform_4(%arg0: i32) -> (i32, i32) {
    %c0_i32 = arith.constant 0 : i32
    %c0_i32_0 = arith.constant 0 : i32
    %c0_i32_1 = arith.constant 0 : i32
    return %c0_i32, %c0_i32_0 : i32, i32
  }
  func.func @transform_5(%arg0: i32) -> (i32, i32) {
    %c0_i32 = arith.constant 0 : i32
    %c0_i32_0 = arith.constant 0 : i32
    %c0_i32_1 = arith.constant 0 : i32
    return %c0_i32, %c0_i32_0 : i32, i32
  }
  func.func @transform_6(%arg0: i32) -> (i32, i32) {
    %c0_i32 = arith.constant 0 : i32
    %c0_i32_0 = arith.constant 0 : i32
    %c0_i32_1 = arith.constant 0 : i32
    return %c0_i32, %c0_i32_0 : i32, i32
  }
  func.func @transform_7(%arg0: i32) -> (i32, i32) {
    %c0_i32 = arith.constant 0 : i32
    %c0_i32_0 = arith.constant 0 : i32
    %c0_i32_1 = arith.constant 0 : i32
    return %c0_i32, %c0_i32_0 : i32, i32
  }
  func.func @transform_8(%arg0: i32) -> (i32, i32) {
    %c0_i32 = arith.constant 0 : i32
    %c0_i32_0 = arith.constant 0 : i32
    %c0_i32_1 = arith.constant 0 : i32
    return %c0_i32, %c0_i32_0 : i32, i32
  }
  func.func @transform_9(%arg0: i32) -> (i32, i32) {
    %c0_i32 = arith.constant 0 : i32
    %c0_i32_0 = arith.constant 0 : i32
    %c0_i32_1 = arith.constant 0 : i32
    return %c0_i32, %c0_i32_0 : i32, i32
  }
  func.func @transform_10(%arg0: i32) -> (i32, i32) {
    %c0_i32 = arith.constant 0 : i32
    %c0_i32_0 = arith.constant 0 : i32
    return %arg0, %c0_i32 : i32, i32
  }
  func.func @transform_11(%arg0: i32) -> (i32, i32) {
    %c0_i32 = arith.constant 0 : i32
    %c0_i32_0 = arith.constant 0 : i32
    return %arg0, %c0_i32 : i32, i32
  }
  func.func @transform_12(%arg0: i32) -> i32 {
    %c0_i32 = arith.constant 0 : i32
    return %arg0 : i32
  }
}

</mosaic_0001>

<sc_bundles>
// kernel: kernel.4.cloned.1.call-start
scs
__scs_entry_jumppad:
0x0: {  	(pc) =	sbr.rel $0x88, $3  }
0x1: {  	(tag) =	ssettag $0x0;
	lr =	simm.s32 $0x1  }
0x2: {  	[smem:$0x3F97] =	sst lr;
	_ =	strace $0xD0000000  }
0x3: {  	_ = 	snop  }
0x4: {  	_ = 	snop  }
0x5: {  	_ = 	snop  }
0x6: {  	_ = 	snop  }
0x7: {  	_ = 	snop  }
__scs_overlays_trampoline_lowered:
0x8: {  	[smem:$0x3FA6] =	sst s0  }
0x9: {  	[smem:$0x3FA7] =	sst s1  }
0xa: {  	[smem:$0x3FA8] =	sst s2  }
0xb: {  	[smem:$0x3FA9] =	sst s3  }
0xc: {  	[smem:$0x3FAA] =	sst s4  }
0xd: {  	[smem:$0x3FAB] =	sst s5  }
0xe: {  	[smem:$0x3FAC] =	sst s6  }
0xf: {  	[smem:$0x3FAD] =	sst s7  }
0x10: {  	[smem:$0x3FAE] =	sst s8  }
0x11: {  	[smem:$0x3FAF] =	sst s9;
	s0 =	simm.s32 @!p0 $0x0  }
0x12: {  	s1 =	sld [smem:$0x3F95];
	s0 =	simm.s32 @p0 $0x1  }
0x13: {  	[smem:$0x3FB0] =	sst s0;
	s0 =	simm.s32 @!p1 $0x0  }
0x14: {  	s2 =	sld [smem:$0x3F94];
	s0 =	simm.s32 @p1 $0x1  }
0x15: {  	[smem:$0x3FB1] =	sst s0;
	s0 =	simm.s32 @!p2 $0x0  }
0x16: {  	s3 =	sld [smem:$0x3FDB];
	s0 =	simm.s32 @p2 $0x1  }
0x17: {  	s4 =	simm.s32 $0x1BF5;
	[smem:$0x3FB3] =	sst s0  }
0x18: {  	s0 =	sld [smem:$0x3F96];
	_ =	swait.ge [sflag:s4], $0x0  }
0x19: {  	s7 =	sld [smem:$0x3F97]  }
0x1a: {  	s8 =	sadd.s32 $0xFFFFE003, lr  }
0x1b: {  	s9 =	sadd.s32 $0xFFFFFEF7, lr;
	s5 =	simm.s32 $0xFFFFFFFF;
	p2 =	slt.u32 s8, $0xFFFFF086  }
0x1c: {  	p1 =	slt.u32 s9, $0xF7A;
	s5 =	simm.s32 @!p2 $0x0  }
0x1d: {  	s5 =	simm.s32 @p1 $0x1;
	p0 =	seq.s32 s7, s2  }
0x1e: {  	s7 =	smul.u32 @!p0 $0xF7A, s2;
	p2 =	seq.s32 @!p0 s5, $0x0  }
0x1f: {  	s9 =	smul.u32 $0xF7A, s1;
	s8 =	simm.s32 @!p0 $0x1BF5;
	p2 =	por !p2, p0  }
0x20: {  	[sflag:s8] =	ssyncset.s32 @!p0 $0xFFFFF086;
	s6 =	sadd.s32 @!p0 s3, s7;
	s7 =	simm.s32 @!p0 $0x108  }
0x21: {  	s3 =	sadd.s32 s3, s9;
	s6 =	sadd.s32 @!p0 $0x88, s6;
	s7 =	simm.s32 @p2 $0x1082  }
0x22: {  	[simem:s7], [sflag:s8] =	dma.local @!p0 [hbm:s6], $0xF7A  }
0x23: {  	s9 =	sor.u32 $0xD0000000, s2;
	s6 =	simm.s32 $0x108;
	_ =	swait.ge @!p0 [sflag:s8], $0x0  }
0x24: {  	s3 =	sadd.s32 $0x88, s3;
	s6 =	simm.s32 @!p1 $0x1082;
	[sflag:s4] =	ssyncset.s32 $0xFFFFF086  }
0x25: {  	[simem:s6], [sflag:s4] =	dma.local [hbm:s3], $0xF7A  }
0x26: {  	[smem:$0x3F97] =	sst s1;
	(tag) =	ssettag s2;
	_ =	strace s9  }
0x27: {  	s1 =	sld [smem:$0x3FA7]  }
0x28: {  	s2 =	sld [smem:$0x3FA8]  }
0x29: {  	s4 =	sld [smem:$0x3FAA]  }
0x2a: {  	p0 =	seq.s32 s5, $0x0;
	s5 =	sld [smem:$0x3FAB]  }
0x2b: {  	s6 =	sld [smem:$0x3FAC]  }
0x2c: {  	s7 =	sld [smem:$0x3FAD]  }
0x2d: {  	s3 =	simm.s32 $0x108;
	s8 =	sld [smem:$0x3FAE]  }
0x2e: {  	s3 =	simm.s32 @!p0 $0x1082;
	s9 =	sld [smem:$0x3FAF]  }
0x2f: {  	lr =	sadd.s32 s0, s3;
	s0 =	sld [smem:$0x3FA6]  }
0x30: {  	s3 =	sld [smem:$0x3FA9]  }
0x31: {  	[smem:$0x3FB2] =	sst s10  }
0x32: {  	s10 =	sld [smem:$0x3FB0];
	_ =	sdelay $0x3  }
0x33: {  	p0 =	seq.s32 s10, $0x1;
	s10 =	sld [smem:$0x3FB2];
	_ =	sdelay $0x3  }
0x34: {  	[smem:$0x3FB2] =	sst s10  }
0x35: {  	s10 =	sld [smem:$0x3FB1];
	_ =	sdelay $0x3  }
0x36: {  	p1 =	seq.s32 s10, $0x1;
	s10 =	sld [smem:$0x3FB2];
	_ =	sdelay $0x3  }
0x37: {  	[smem:$0x3FB2] =	sst s10  }
0x38: {  	s10 =	sld [smem:$0x3FB3]  }
0x39: {  	_ = 	snop;
	(pc) =	sbr.ind lr, $3  }
0x3a: {  	_ = 	snop  }
0x3b: {  	_ = 	snop  }
0x3c: {  	p2 =	seq.s32 s10, $0x1;
	s10 =	sld [smem:$0x3FB2]  }
0x3d: {  	_ =	shalt  }
0x3e: {  	_ =	shalt  }
0x3f: {  	_ =	shalt  }
0x40: {  	_ =	shalt  }
0x41: {  	_ =	shalt  }
0x42: {  	_ =	shalt  }
0x43: {  	_ =	shalt  }
0x44: {  	_ =	shalt  }
0x45: {  	_ =	shalt  }
0x46: {  	_ =	shalt  }
0x47: {  	_ =	shalt  }
0x48: {  	_ =	shalt  }
0x49: {  	_ =	shalt  }
0x4a: {  	_ =	shalt  }
0x4b: {  	_ =	shalt  }
0x4c: {  	_ =	shalt  }
0x4d: {  	_ =	shalt  }
0x4e: {  	_ =	shalt  }
0x4f: {  	_ =	shalt  }
0x50: {  	_ =	shalt  }
0x51: {  	_ =	shalt  }
0x52: {  	_ =	shalt  }
0x53: {  	_ =	shalt  }
0x54: {  	_ =	shalt  }
0x55: {  	_ =	shalt  }
0x56: {  	_ =	shalt  }
0x57: {  	_ =	shalt  }
0x58: {  	_ =	shalt  }
0x59: {  	_ =	shalt  }
0x5a: {  	_ =	shalt  }
0x5b: {  	_ =	shalt  }
0x5c: {  	_ =	shalt  }
0x5d: {  	_ =	shalt  }
0x5e: {  	_ =	shalt  }
0x5f: {  	_ =	shalt  }
0x60: {  	_ =	shalt  }
0x61: {  	_ =	shalt  }
0x62: {  	_ =	shalt  }
0x63: {  	_ =	shalt  }
0x64: {  	_ =	shalt  }
0x65: {  	_ =	shalt  }
0x66: {  	_ =	shalt  }
0x67: {  	_ =	shalt  }
0x68: {  	_ =	shalt  }
0x69: {  	_ =	shalt  }
0x6a: {  	_ =	shalt  }
0x6b: {  	_ =	shalt  }
0x6c: {  	_ =	shalt  }
0x6d: {  	_ =	shalt  }
0x6e: {  	_ =	shalt  }
0x6f: {  	_ =	shalt  }
0x70: {  	_ =	shalt  }
0x71: {  	_ =	shalt  }
0x72: {  	_ =	shalt  }
0x73: {  	_ =	shalt  }
0x74: {  	_ =	shalt  }
0x75: {  	_ =	shalt  }
0x76: {  	_ =	shalt  }
0x77: {  	_ =	shalt  }
0x78: {  	_ =	shalt  }
0x79: {  	_ =	shalt  }
0x7a: {  	_ =	shalt  }
0x7b: {  	_ =	shalt  }
0x7c: {  	_ =	shalt  }
0x7d: {  	_ =	shalt  }
0x7e: {  	_ =	shalt  }
0x7f: {  	_ =	shalt  }
0x80: {  	_ =	shalt  }
0x81: {  	_ =	shalt  }
0x82: {  	_ =	shalt  }
0x83: {  	_ =	shalt  }
0x84: {  	_ =	shalt  }
0x85: {  	_ =	shalt  }
0x86: {  	_ =	shalt  }
0x87: {  	_ =	shalt  }
.Lfunc_end0:
.L_simem_size_0:
called_computation_lowered:
.L_overlay_start_0:
0x88: {  	s0 =	sld [smem:$0x3FD9]  }
0x89: {  	s1 =	sld [smem:$0x3FFE];
	_ =	sdelay $0x3  }
0x8a: {  	s0 =	sadd.s32 s1, s0  }
0x8b: {  	[smem:$0x3FBE] =	sst s0  }
0x8c: {  	_ = 	snop  }
0x8d: {  	s0 =	sld [smem:$0x3FD0];
	_ =	sdelay $0x2  }
0x8e: {  	s2 =	simm.s32 $0xA;
	s3 =	simm.s32 $0x10;
	s13 =	sld [smem:$0x3FC4]  }
0x8f: {  	[smem:s3], [sflag:s2] =	dma.local [hbm:s0], $0x1  }
0x90: {  	_ =	swait.eq [sflag:s2], $0x1  }
0x91: {  	[sflag:s2] =	ssyncset.done $0x0  }
0x92: {  	[sflag:s2] =	ssyncadd.s32 $0xFFFFFFFF  }
0x93: {  	s14 =	sld [smem:$0x12];
	(tm) =	ssettm $0x1  }
0x94: {  	s15 =	sld [smem:$0x3FFB];
	_ =	sdelay $0x3  }
0x95: {  	_ =	strace s15  }
0x96: {  	s2 =	sld [smem:$0x3FFC];
	_ =	sdelay $0x3  }
0x97: {  	_ =	strace s2  }
0x98: {  	s2 =	sld [smem:$0x3FFD];
	_ =	sdelay $0x3  }
0x99: {  	_ =	strace s2  }
0x9a: {  	_ =	strace $0x8FFFFFFF  }
0x9b: {  	s16 =	sld [smem:$0x3FDB];
	_ =	sdelay $0x1  }
0x9c: {  	s17 =	simm.s32 $_scs_section_size  }
0x9d: {  	s4 =	simm.s32 $_size__tile_overlayer_lowered;
	s5 =	simm.s32 $_tile_overlayer_lowered  }
0x9e: {  	s20 =	simm.s32 $0x1BFF;
	s19 =	sshll.u32 s5, $0x1;
	s2 =	sadd.s32 s17, s16  }
0x9f: {  	s6 =	simm.s32 $0x0;
	s18 =	sshll.u32 s4, $0x1;
	s4 =	sadd.s32 s19, s2  }
0xa0: {  	[timem:s6], [sflag:s20] =	dma.local [hbm:s4], s18  }
0xa1: {  	_ =	swait.ge [sflag:s20], s18  }
0xa2: {  	s3 =	ssub.s32 $0x0, s18;
	[sflag:s20] =	ssyncset.done $0x0  }
0xa3: {  	[sflag:s20] =	ssyncadd.s32 s3;
	_ =	sdelay $0x1  }
0xa4: {  	s21 =	simm.s32 $0x1B8B  }
0xa5: {  	_ =	swait.ge [sflag:s21], $0x1  }
0xa6: {  	[sflag:s21] =	ssyncset.done $0x0  }
0xa7: {  	s23 =	simm.s32 $0x1B8E;
	s22 =	sld [smem:$0x3FFE];
	[sflag:s21] =	ssyncadd.s32 $0xFFFFFFFF  }
0xa8: {  	s24 =	simm.s32 $execute0_lowered;
	[smem:$0x3FD2] =	sst s23  }
0xa9: {  	s4 =	sshll.u32 s24, $0x1;
	_ =	strace $0x80000046;
	[dreg:$0x1] =	wrdreg $0xFFFFFFFF  }
0xaa: {  	s25 =	simm.s32 $_size_execute0_lowered;
	s2 =	sadd.s32 s2, s4;
	[dreg:$0x0] =	wrdreg $0x0  }
0xab: {  	s4 =	sshll.u32 s25, $0x1;
	[dreg:$0x2] =	wrdreg s2  }
0xac: {  	[dreg:$0x3] =	wrdreg s4  }
0xad: {  	[dreg:$0x4] =	wrdreg $0xC0  }
0xae: {  	_ =	task [dreg:s6], $0x5FFFF  }
0xaf: {  	[dreg:$0x1] =	wrdreg $0xFFFFFFFF  }
0xb0: {  	[dreg:$0x0] =	wrdreg $0x60  }
0xb1: {  	[dreg:$0x2] =	wrdreg s22  }
0xb2: {  	[dreg:$0x3] =	wrdreg s13  }
0xb3: {  	[dreg:$0x4] =	wrdreg s14  }
0xb4: {  	[dreg:$0x5] =	wrdreg $0x9  }
0xb5: {  	_ =	task.clear_ibuf [dreg:s6], $0x6FFFF;
	_ =	strace $0x90000046  }
0xb6: {  	s26 =	simm.s32 $0x9;
	_ =	strace $0x80000048  }
0xb7: {  	_ =	swait.ge [sflag:s26], $0x1  }
0xb8: {  	[sflag:s26] =	ssyncadd.s32 $0xFFFFFFFF  }
0xb9: {  	_ =	strace $0x90000048  }
0xba: {  	_ =	sfence  }
0xbb: {  	s28 =	sld [smem:$0x0];
	_ =	sdelay $0x1  }
0xbc: {  	s29 =	srdreg.scid  }
0xbd: {  	s30 =	sshll.u32 s29, $0xD;
	s31 =	sshrl.u32 s29, $0x2  }
0xbe: {  	s1 =	sand.u32 $0x1, s29;
	s2 =	sand.u32 $0x4000, s30;
	s0 =	sadd.s32 s31, s28  }
0xbf: {  	s1 =	sor.u32 s2, s1;
	s0 =	sshll.u32 s0, $0x11  }
0xc0: {  	s0 =	sor.u32 s0, s1  }
0xc1: {  	s0 =	sadd.s32 $0x8F2B, s0  }
0xc2: {  	[sflag:s0] =	ssyncadd.remote.s32 $0x1  }
0xc3: {  	_ =	sfence.sel $0xFFFF  }
0xc4: {  	[dreg:$0x0] =	wrdreg $0xFFFFFFFF;
	(pc) =	sbr.abs _section_cstart, $3  }
0xc5: {  	[dreg:$0x1] =	wrdreg $0xFFFFFFFF  }
0xc6: {  	_ =	task.clear_ibuf [dreg:s6], $0x2FFFF;
	_ =	strace $0x9FFFFFFF  }
0xc7: {  	(tm) =	ssettm $0x7FFFFFFF  }
tec
execute0_lowered:
.L_overlay_start_1:
0x0: {  	(tag) =	ssettag $0x1  }
0x1: {  	s4 =	rddreg [dreg:$0x0]  }
0x2: {  	s5 =	rddreg [dreg:$0x1]  }
0x3: {  	s2 =	rddreg [dreg:$0x2];
	s1 =	stileid.u32  }
0x4: {  	s0 =	rddreg [dreg:$0x3];
	s3 =	simm.s32 $0x0;
	s6 =	sshll.u32 s1, $0x3  }
0x5: {  	[smem:$0x7FF] =	sst s3;
	s4 =	sadd.s32 s6, s4  }
0x6: {  	s13 =	simm.s32 $0x2;
	_ =	strace $0x80000047;
	s4 =	sadd.s32 $0x1A00, s4  }
0x7: {  	[tilespmem:s3], [sflag:$0x2] =	stream.linear.gather [hbm4b:s4+s3], $0x40, $0x38;
	[tilespmem:$0x8080] =	vst v63  }
0x8: {  	_ =	swait.ge [sflag:s13], $0x40  }
0x9: {  	[sflag:s13] =	ssyncset.done $0x0  }
0xa: {  	[sflag:s13] =	ssyncadd.s32 $0xFFFFFFC0  }
0xb: {  	v0 =	vld [tilespmem:$0x0];
	_ =	sdelay $0x4  }
0xc: {  	v1 =	vshll.u32 v0, $0x2  }
0xd: {  	v2 =	vlaneseq.u32;
	v0 =	vand.u32 $0x7, v0;
	v1 =	vand.u32 $0xFFFFFFE0, v1  }
0xe: {  	v60 =	vand.u32 $0x7, v2;
	v3 =	vshrl.u32 v2, $0x3;
	v0 =	vor.u32 v0, v1  }
0xf: {  	v3 =	vmul.u32 $0x8, v3;
	v4 =	vperm.xlane v0, v60;
	_ =	sdelay $0x1  }
0x10: {  	v4 =	vadd.s32 v3, v4  }
0x11: {  	v2 =	vor.u32 $0x8, v2  }
0x12: {  	v0 =	vperm.xlane v0, v2;
	_ =	sdelay $0x1  }
0x13: {  	vm0 =	vmmov $0xffff;
	s14 =	simm.s32 $0x80;
	v0 =	vadd.s32 v3, v0  }
0x14: {  	[tilespmem:s14], [sflag:$0x1] =	stream.indirect_vreg.gather [hbm4b:s5+s3], $0x80, v4, vm0, $0xb8;
	[tilespmem:$0x8080] =	vst v63  }
0x15: {  	s8 =	simm.s32 $0x880;
	s7 =	sadd.s32 $0x100, s5  }
0x16: {  	[tilespmem:s8], [sflag:$0x1] =	stream.indirect_vreg.gather [hbm4b:s7+s3], $0x80, v4, vm0, $0xb8;
	[tilespmem:$0x8080] =	vst v63  }
0x17: {  	s15 =	simm.s32 $0x1080  }
0x18: {  	[tilespmem:s15], [sflag:$0x1] =	stream.indirect_vreg.gather [hbm4b:s5+s3], $0x80, v0, vm0, $0xb8;
	[tilespmem:$0x8080] =	vst v63  }
0x19: {  	s16 =	simm.s32 $0x1880  }
0x1a: {  	[tilespmem:s16], [sflag:$0x1] =	stream.indirect_vreg.gather [hbm4b:s7+s3], $0x80, v0, vm0, $0xb8;
	[tilespmem:$0x8080] =	vst v63  }
0x1b: {  	v0 =	vld [tilespmem:$0x10];
	_ =	sdelay $0x4  }
0x1c: {  	v61 =	vshll.u32 v0, $0x2  }
0x1d: {  	v0 =	vand.u32 $0x7, v0;
	v4 =	vand.u32 $0xFFFFFFE0, v61  }
0x1e: {  	v0 =	vor.u32 v0, v4  }
0x1f: {  	v4 =	vperm.xlane v0, v60;
	_ =	sdelay $0x1  }
0x20: {  	v4 =	vadd.s32 v3, v4;
	_ =	sdelay $0x1  }
0x21: {  	v0 =	vperm.xlane v0, v2;
	_ =	sdelay $0x1  }
0x22: {  	s17 =	simm.s32 $0x2080;
	v0 =	vadd.s32 v3, v0  }
0x23: {  	[tilespmem:s17], [sflag:$0x1] =	stream.indirect_vreg.gather [hbm4b:s5+s3], $0x80, v4, vm0, $0xb8;
	[tilespmem:$0x8080] =	vst v63  }
0x24: {  	s18 =	simm.s32 $0x2880  }
0x25: {  	[tilespmem:s18], [sflag:$0x1] =	stream.indirect_vreg.gather [hbm4b:s7+s3], $0x80, v4, vm0, $0xb8;
	[tilespmem:$0x8080] =	vst v63  }
0x26: {  	s19 =	simm.s32 $0x3080  }
0x27: {  	[tilespmem:s19], [sflag:$0x1] =	stream.indirect_vreg.gather [hbm4b:s5+s3], $0x80, v0, vm0, $0xb8;
	[tilespmem:$0x8080] =	vst v63  }
0x28: {  	s20 =	simm.s32 $0x3880  }
0x29: {  	[tilespmem:s20], [sflag:$0x1] =	stream.indirect_vreg.gather [hbm4b:s7+s3], $0x80, v0, vm0, $0xb8;
	[tilespmem:$0x8080] =	vst v63  }
0x2a: {  	v0 =	vld [tilespmem:$0x20];
	_ =	sdelay $0x4  }
0x2b: {  	v62 =	vshll.u32 v0, $0x2  }
0x2c: {  	v0 =	vand.u32 $0x7, v0;
	v4 =	vand.u32 $0xFFFFFFE0, v62  }
0x2d: {  	v0 =	vor.u32 v0, v4  }
0x2e: {  	v4 =	vperm.xlane v0, v60;
	_ =	sdelay $0x1  }
0x2f: {  	v4 =	vadd.s32 v3, v4;
	_ =	sdelay $0x1  }
0x30: {  	v0 =	vperm.xlane v0, v2;
	_ =	sdelay $0x1  }
0x31: {  	s21 =	simm.s32 $0x4080;
	v0 =	vadd.s32 v3, v0  }
0x32: {  	[tilespmem:s21], [sflag:$0x1] =	stream.indirect_vreg.gather [hbm4b:s5+s3], $0x80, v4, vm0, $0xb8;
	[tilespmem:$0x8080] =	vst v63  }
0x33: {  	s22 =	simm.s32 $0x4880  }
0x34: {  	[tilespmem:s22], [sflag:$0x1] =	stream.indirect_vreg.gather [hbm4b:s7+s3], $0x80, v4, vm0, $0xb8;
	[tilespmem:$0x8080] =	vst v63  }
0x35: {  	s23 =	simm.s32 $0x5080  }
0x36: {  	[tilespmem:s23], [sflag:$0x1] =	stream.indirect_vreg.gather [hbm4b:s5+s3], $0x80, v0, vm0, $0xb8;
	[tilespmem:$0x8080] =	vst v63  }
0x37: {  	s24 =	simm.s32 $0x5880  }
0x38: {  	[tilespmem:s24], [sflag:$0x1] =	stream.indirect_vreg.gather [hbm4b:s7+s3], $0x80, v0, vm0, $0xb8;
	[tilespmem:$0x8080] =	vst v63  }
0x39: {  	v0 =	vld [tilespmem:$0x30];
	_ =	sdelay $0x4  }
0x3a: {  	v63 =	vshll.u32 v0, $0x2  }
0x3b: {  	v0 =	vand.u32 $0x7, v0;
	v4 =	vand.u32 $0xFFFFFFE0, v63  }
0x3c: {  	v0 =	vor.u32 v0, v4  }
0x3d: {  	v1 =	vperm.xlane v0, v60;
	_ =	sdelay $0x1  }
0x3e: {  	v1 =	vadd.s32 v3, v1;
	_ =	sdelay $0x1  }
0x3f: {  	v0 =	vperm.xlane v0, v2;
	_ =	sdelay $0x1  }
0x40: {  	s25 =	simm.s32 $0x6080;
	v0 =	vadd.s32 v3, v0  }
0x41: {  	[tilespmem:s25], [sflag:$0x1] =	stream.indirect_vreg.gather [hbm4b:s5+s3], $0x80, v1, vm0, $0xb8;
	[tilespmem:$0x8080] =	vst v63  }
0x42: {  	s26 =	simm.s32 $0x6880  }
0x43: {  	[tilespmem:s26], [sflag:$0x1] =	stream.indirect_vreg.gather [hbm4b:s7+s3], $0x80, v1, vm0, $0xb8;
	[tilespmem:$0x8080] =	vst v63  }
0x44: {  	s28 =	simm.s32 $0x7080  }
0x45: {  	[tilespmem:s28], [sflag:$0x1] =	stream.indirect_vreg.gather [hbm4b:s5+s3], $0x80, v0, vm0, $0xb8;
	[tilespmem:$0x8080] =	vst v63  }
0x46: {  	s29 =	simm.s32 $0x7880;
	s30 =	simm.s32 $0x1  }
0x47: {  	[tilespmem:s29], [sflag:$0x1] =	stream.indirect_vreg.gather [hbm4b:s7+s3], $0x80, v0, vm0, $0xb8;
	[tilespmem:$0x8080] =	vst v63  }
0x48: {  	_ =	swait.ge [sflag:s30], $0x8000  }
0x49: {  	s31 =	sshll.u32 s1, $0xC;
	[sflag:s30] =	ssyncset.done $0x0  }
0x4a: {  	s2 =	sadd.s32 s2, s31;
	[sflag:s30] =	ssyncadd.s32 $0xFFFF8000  }
0x4b: {  	[hbm4b:s2+s3] =	stream.linear.scatter [tilespmem:s14], [sflag:$0x2], $0x8000, $0x38;
	[tilespmem:$0x8080] =	vst v63  }
0x4c: {  	_ =	swait.ge [sflag:s13], $0x8000  }
0x4d: {  	[sflag:s13] =	ssyncset.done $0x0  }
0x4e: {  	[sflag:s13] =	ssyncadd.s32 $0xFFFF8000  }
0x4f: {  	_ =	sfence.sel $0x180000  }
0x50: {  	[bflag:$0x0] =	sbarrier.arrive $0xFFFF  }
0x51: {  	p0 =	sne.s32 s1, $0x0;
	_ =	strace $0x90000047  }
0x52: {  	s0 =	sadd.s32 @!p0 $0x100000, s0;
	[bflag:$0x2] =	sbarrier.arrive $0xFFFF  }
0x53: {  	[sflag:s0] =	ssyncadd.tile.s32 @!p0 $0x1;
	_ =	shalt  }
.Lfunc_end2:
_tile_overlayer_lowered:
.L_overlay_start_2:
0x54: {  	(tag) =	ssettag $0x2  }
0x55: {  	s0 =	rddreg [dreg:$0x0];
	s2 =	stileid.u32  }
0x56: {  	s1 =	rddreg [dreg:$0x1];
	p0 =	sne.s32 s2, $0x0  }
0x57: {  	s3 =	rddreg [dreg:$0x2];
	[bflag:$0x3] =	sbarrier.arrive $0xFFFF;
	s2 =	simm.s32 @!p0 $0x1C02  }
0x58: {  	[timem:s3], [sflag:s2] =	dma.local @!p0 [hbm:s0], s1  }
0x59: {  	s0 =	simm.s32 @!p0 $0x2  }
0x5a: {  	_ =	swait.ge @!p0 [sflag:s0], s1  }
0x5b: {  	s1 =	ssub.s32 @!p0 $0x0, s1;
	[sflag:s0] =	ssyncset.done @!p0 $0x0  }
0x5c: {  	[sflag:s0] =	ssyncadd.s32 @!p0 s1  }
0x5d: {  	[bflag:$0x3] =	sbarrier.arrive $0xFFFF  }
0x5e: {  	_ =	shalt  }

</sc_bundles>
